<compile_context>
chip_gen: v7x
topology: tpu7x:2x2x1
jax: 0.10.2.dev20260603
libtpu: 0.0.44.dev20260713+nightly
codegen_flags: <defaults>
</compile_context>

<pallas_src>
import functools

import jax
import jax.numpy as jnp
from jax import lax
from jax.experimental import pallas as pl
from jax.experimental.pallas import tpu as pltpu
from jax.experimental.pallas import tpu_sc as plsc

NC, NS, L = 2, 16, 16
NW = NC * NS
B = 16384
BPW = B // NW
V = 100
VP = 112
D = 32
POFF_W = D * VP
POFF_B = POFF_W + D
PLEN = POFF_B + L

_mesh = plsc.VectorSubcoreMesh(core_axis_name="c", subcore_axis_name="s")


@functools.partial(
    pl.kernel,
    out_type=jax.ShapeDtypeStruct((B,), jnp.float32),
    mesh=_mesh,
    scratch_types=[
        pltpu.VMEM((BPW,), jnp.int32),
        pltpu.VMEM((PLEN,), jnp.float32),
        pltpu.VMEM((VP,), jnp.float32),
        pltpu.VMEM((BPW,), jnp.float32),
        pltpu.SemaphoreType.DMA,
        pltpu.SemaphoreType.DMA,
    ],
    compiler_params=pltpu.CompilerParams(needs_layout_passes=False),
)
def _sc_lut_gather(idx_hbm, params_hbm, out_hbm,
                   idx_v, params_v, lut_v, out_v, sem_idx, sem_par):
    wid = lax.axis_index("s") * NC + lax.axis_index("c")
    base = wid * BPW

    cp_idx = pltpu.make_async_copy(idx_hbm.at[pl.ds(base, BPW)], idx_v, sem_idx)
    cp_idx.start()
    cp_par = pltpu.make_async_copy(params_hbm, params_v, sem_par)
    cp_par.start()
    cp_par.wait()

    nchunk = VP // L
    zero16 = jnp.zeros((L,), jnp.int32)

    def matvec_body(c, accs):
        wc = plsc.load_gather(params_v, [zero16 + (POFF_W + c)])[0]
        return tuple(accs[k] + params_v[pl.ds(c * VP + k * L, L)] * wc
                     for k in range(nchunk))

    accs = lax.fori_loop(
        0, D, matvec_body,
        tuple(jnp.zeros((L,), jnp.float32) for _ in range(nchunk)))
    bb = params_v[pl.ds(POFF_B, L)][0]
    for k in range(nchunk):
        x = accs[k] + bb
        lut_v[pl.ds(k * L, L)] = 1.0 / (1.0 + jnp.exp(-x))

    cp_idx.wait()

    def gather_body(j, carry):
        off = j * L
        iv = idx_v[pl.ds(off, L)]
        out_v[pl.ds(off, L)] = plsc.load_gather(lut_v, [iv])
        return carry

    lax.fori_loop(0, BPW // L, gather_body, 0)

    pltpu.sync_copy(out_v, out_hbm.at[pl.ds(base, BPW)])


def kernel(inputs, embedding_table, dense_w, dense_b):
    idx = inputs.reshape(B).astype(jnp.int32)
    params = jnp.concatenate([
        jnp.pad(embedding_table.T, ((0, 0), (0, VP - V))).reshape(-1),
        dense_w.reshape(D),
        dense_b.astype(jnp.float32),
        jnp.zeros((L - 1,), jnp.float32),
    ])
    out = _sc_lut_gather(idx, params)
    return out.reshape(B, 1)

# --- scband reference (transcript-rebuilt; emitter-appended) ---
"""Pipeline reference for scband-my-model-87522843559836 (READ-ONLY COPY).

The authoritative reference and input builder live on the scoring server;
editing this copy changes nothing except your own understanding.
"""

import jax, jax.numpy as jnp
import numpy as np


def setup_inputs(seed: int = 0) -> dict:
    key = jax.random.key(seed)
    k_idx, k_emb, k_w, k_b = jax.random.split(key, 4)
    inputs = jax.random.randint(k_idx, (16384, 1), 0, 100, dtype=jnp.int64)
    # Learned parameters sized per module: Embedding(input_dim=100, output_dim=32), Dense(1)
    embedding_table = jax.random.normal(k_emb, (100, 32), dtype=jnp.float32) * 0.05
    dense_w = jax.random.normal(k_w, (32, 1), dtype=jnp.float32) * (1.0 / np.sqrt(32.0))
    dense_b = jnp.zeros((1,), dtype=jnp.float32)
    return {"inputs": inputs, "embedding_table": embedding_table, "dense_w": dense_w, "dense_b": dense_b}


def reference(inputs, embedding_table, dense_w, dense_b):
    # Embedding lookup: [B, 1] -> [B, 1, 32]
    x = jnp.take(embedding_table, inputs, axis=0)
    # Squeeze axis=1: [B, 1, 32] -> [B, 32]
    x = jnp.squeeze(x, axis=1)
    # Dense(1, activation='sigmoid'): [B, 32] -> [B, 1]
    x = jax.nn.sigmoid(x @ dense_w + dense_b)
    return x

if __name__ == "__main__":
    import jax
    _d = setup_inputs()
    print(jax.jit(kernel)(*tuple(_d.values())))

</pallas_src>

<mosaic_0001>
#map = affine_map<(d0, d1) -> (0)>
module attributes {stable_mosaic.version = 14 : i64} {
  func.func @_sc_lut_gather(%arg0: i32, %arg1: i32, %arg2: memref<16384xi32, #tpu.memory_space<hbm>>, %arg3: memref<3632xf32, #tpu.memory_space<hbm>>, %arg4: memref<16384xf32, #tpu.memory_space<hbm>>, %arg5: memref<512xi32, #tpu.memory_space<vmem>>, %arg6: memref<3632xf32, #tpu.memory_space<vmem>>, %arg7: memref<112xf32, #tpu.memory_space<vmem>>, %arg8: memref<512xf32, #tpu.memory_space<vmem>>, %arg9: memref<!tpu.dma_semaphore, #tpu.memory_space<semaphore_mem>>, %arg10: memref<!tpu.dma_semaphore, #tpu.memory_space<semaphore_mem>>) attributes {dimension_semantics = [#tpu.dimension_semantics<core_parallel>, #tpu.dimension_semantics<subcore_parallel>], iteration_bounds = array<i64: 2, 16>, scalar_prefetch = 0 : i64, scratch_operands = 6 : i64, tpu.core_type = #tpu.core_type<sc_vector_subcore>, window_params = [{transform_indices = #map}, {transform_indices = #map}, {transform_indices = #map}]} {
    %mul3A = arith.constant 2 : i32
    %mul3A_0 = arith.muli %arg1, %mul3A : i32
    %add3A = arith.addi %mul3A_0, %arg0 : i32
    %mul3A_1 = arith.constant 512 : i32
    %mul3A_2 = arith.muli %add3A, %mul3A_1 : i32
    %dma_start3A = tpu.memref_slice %arg2[%mul3A_2] : memref<16384xi32, #tpu.memory_space<hbm>> -> memref<512xi32, #tpu.memory_space<hbm>>
    %dma_start3A_3 = tpu.memref_slice %arg2[%mul3A_2] : memref<16384xi32, #tpu.memory_space<hbm>> -> memref<512xi32, #tpu.memory_space<hbm>>
    tpu.enqueue_dma source(%dma_start3A_3 : memref<512xi32, #tpu.memory_space<hbm>>) target(%arg5 : memref<512xi32, #tpu.memory_space<vmem>>) target_semaphore(%arg9 : memref<!tpu.dma_semaphore, #tpu.memory_space<semaphore_mem>>)
    tpu.enqueue_dma source(%arg3 : memref<3632xf32, #tpu.memory_space<hbm>>) target(%arg6 : memref<3632xf32, #tpu.memory_space<vmem>>) target_semaphore(%arg10 : memref<!tpu.dma_semaphore, #tpu.memory_space<semaphore_mem>>)
    tpu.wait_dma2 semaphore(%arg10 : memref<!tpu.dma_semaphore, #tpu.memory_space<semaphore_mem>>) src(%arg3 : memref<3632xf32, #tpu.memory_space<hbm>>) dst(%arg6 : memref<3632xf32, #tpu.memory_space<vmem>>)
    %broadcast_in_dim3A = arith.constant 0 : i32
    %broadcast_in_dim3A_4 = vector.broadcast %broadcast_in_dim3A : i32 to vector<16xi32>
    %broadcast_in_dim3A_5 = arith.constant 0.000000e+00 : f32
    %broadcast_in_dim3A_6 = vector.broadcast %broadcast_in_dim3A_5 : f32 to vector<16xf32>
    %broadcast_in_dim3A_7 = arith.constant 0.000000e+00 : f32
    %broadcast_in_dim3A_8 = vector.broadcast %broadcast_in_dim3A_7 : f32 to vector<16xf32>
    %broadcast_in_dim3A_9 = arith.constant 0.000000e+00 : f32
    %broadcast_in_dim3A_10 = vector.broadcast %broadcast_in_dim3A_9 : f32 to vector<16xf32>
    %broadcast_in_dim3A_11 = arith.constant 0.000000e+00 : f32
    %broadcast_in_dim3A_12 = vector.broadcast %broadcast_in_dim3A_11 : f32 to vector<16xf32>
    %broadcast_in_dim3A_13 = arith.constant 0.000000e+00 : f32
    %broadcast_in_dim3A_14 = vector.broadcast %broadcast_in_dim3A_13 : f32 to vector<16xf32>
    %broadcast_in_dim3A_15 = arith.constant 0.000000e+00 : f32
    %broadcast_in_dim3A_16 = vector.broadcast %broadcast_in_dim3A_15 : f32 to vector<16xf32>
    %broadcast_in_dim3A_17 = arith.constant 0.000000e+00 : f32
    %broadcast_in_dim3A_18 = vector.broadcast %broadcast_in_dim3A_17 : f32 to vector<16xf32>
    %scan3A = arith.constant 0 : i32
    %scan3A_19 = arith.constant 32 : i32
    %scan3A_20 = arith.addi %scan3A, %scan3A_19 : i32
    %scan3A_21 = arith.constant 1 : i32
    %scan3A_22:7 = scf.for %scan3A_126 = %scan3A to %scan3A_20 step %scan3A_21 iter_args(%scan3A_127 = %broadcast_in_dim3A_6, %scan3A_128 = %broadcast_in_dim3A_8, %scan3A_129 = %broadcast_in_dim3A_10, %scan3A_130 = %broadcast_in_dim3A_12, %scan3A_131 = %broadcast_in_dim3A_14, %scan3A_132 = %broadcast_in_dim3A_16, %scan3A_133 = %broadcast_in_dim3A_18) -> (vector<16xf32>, vector<16xf32>, vector<16xf32>, vector<16xf32>, vector<16xf32>, vector<16xf32>, vector<16xf32>)  : i32 {
      %add3A_134 = arith.constant 3584 : i32
      %add3A_135 = arith.addi %add3A_134, %scan3A_126 : i32
      %add3A_136 = vector.broadcast %add3A_135 : i32 to vector<16xi32>
      %add3A_137 = arith.addi %broadcast_in_dim3A_4, %add3A_136 : vector<16xi32>
      %gather3A = tpu.vector_load_idx %arg6[%add3A_137] : memref<3632xf32, #tpu.memory_space<vmem>>[vector<16xi32>], vector<16xf32>,
      %slice3A_138 = vector.extract_strided_slice %gather3A {offsets = [0], sizes = [1], strides = [1]} : vector<16xf32> to vector<1xf32>
      %squeeze3A_139 = vector.extract %slice3A_138[0] : f32 from vector<1xf32>
      %mul3A_140 = arith.constant 112 : i32
      %mul3A_141 = arith.muli %scan3A_126, %mul3A_140 : i32
      %add3A_142 = arith.constant 0 : i32
      %add3A_143 = arith.addi %mul3A_141, %add3A_142 : i32
      %get3A_144 = arith.index_cast %add3A_143 : i32 to index
      %get3A_145 = tpu.vector_load %arg6[%get3A_144] {strides = array<i32>} : memref<3632xf32, #tpu.memory_space<vmem>>, vector<16xf32>,
      %mul3A_146 = vector.broadcast %squeeze3A_139 : f32 to vector<16xf32>
      %mul3A_147 = arith.mulf %get3A_145, %mul3A_146 : vector<16xf32>
      %add3A_148 = arith.addf %scan3A_127, %mul3A_147 : vector<16xf32>
      %mul3A_149 = arith.constant 112 : i32
      %mul3A_150 = arith.muli %scan3A_126, %mul3A_149 : i32
      %add3A_151 = arith.constant 16 : i32
      %add3A_152 = arith.addi %mul3A_150, %add3A_151 : i32
      %get3A_153 = arith.index_cast %add3A_152 : i32 to index
      %get3A_154 = tpu.vector_load %arg6[%get3A_153] {strides = array<i32>} : memref<3632xf32, #tpu.memory_space<vmem>>, vector<16xf32>,
      %mul3A_155 = vector.broadcast %squeeze3A_139 : f32 to vector<16xf32>
      %mul3A_156 = arith.mulf %get3A_154, %mul3A_155 : vector<16xf32>
      %add3A_157 = arith.addf %scan3A_128, %mul3A_156 : vector<16xf32>
      %mul3A_158 = arith.constant 112 : i32
      %mul3A_159 = arith.muli %scan3A_126, %mul3A_158 : i32
      %add3A_160 = arith.constant 32 : i32
      %add3A_161 = arith.addi %mul3A_159, %add3A_160 : i32
      %get3A_162 = arith.index_cast %add3A_161 : i32 to index
      %get3A_163 = tpu.vector_load %arg6[%get3A_162] {strides = array<i32>} : memref<3632xf32, #tpu.memory_space<vmem>>, vector<16xf32>,
      %mul3A_164 = vector.broadcast %squeeze3A_139 : f32 to vector<16xf32>
      %mul3A_165 = arith.mulf %get3A_163, %mul3A_164 : vector<16xf32>
      %add3A_166 = arith.addf %scan3A_129, %mul3A_165 : vector<16xf32>
      %mul3A_167 = arith.constant 112 : i32
      %mul3A_168 = arith.muli %scan3A_126, %mul3A_167 : i32
      %add3A_169 = arith.constant 48 : i32
      %add3A_170 = arith.addi %mul3A_168, %add3A_169 : i32
      %get3A_171 = arith.index_cast %add3A_170 : i32 to index
      %get3A_172 = tpu.vector_load %arg6[%get3A_171] {strides = array<i32>} : memref<3632xf32, #tpu.memory_space<vmem>>, vector<16xf32>,
      %mul3A_173 = vector.broadcast %squeeze3A_139 : f32 to vector<16xf32>
      %mul3A_174 = arith.mulf %get3A_172, %mul3A_173 : vector<16xf32>
      %add3A_175 = arith.addf %scan3A_130, %mul3A_174 : vector<16xf32>
      %mul3A_176 = arith.constant 112 : i32
      %mul3A_177 = arith.muli %scan3A_126, %mul3A_176 : i32
      %add3A_178 = arith.constant 64 : i32
      %add3A_179 = arith.addi %mul3A_177, %add3A_178 : i32
      %get3A_180 = arith.index_cast %add3A_179 : i32 to index
      %get3A_181 = tpu.vector_load %arg6[%get3A_180] {strides = array<i32>} : memref<3632xf32, #tpu.memory_space<vmem>>, vector<16xf32>,
      %mul3A_182 = vector.broadcast %squeeze3A_139 : f32 to vector<16xf32>
      %mul3A_183 = arith.mulf %get3A_181, %mul3A_182 : vector<16xf32>
      %add3A_184 = arith.addf %scan3A_131, %mul3A_183 : vector<16xf32>
      %mul3A_185 = arith.constant 112 : i32
      %mul3A_186 = arith.muli %scan3A_126, %mul3A_185 : i32
      %add3A_187 = arith.constant 80 : i32
      %add3A_188 = arith.addi %mul3A_186, %add3A_187 : i32
      %get3A_189 = arith.index_cast %add3A_188 : i32 to index
      %get3A_190 = tpu.vector_load %arg6[%get3A_189] {strides = array<i32>} : memref<3632xf32, #tpu.memory_space<vmem>>, vector<16xf32>,
      %mul3A_191 = vector.broadcast %squeeze3A_139 : f32 to vector<16xf32>
      %mul3A_192 = arith.mulf %get3A_190, %mul3A_191 : vector<16xf32>
      %add3A_193 = arith.addf %scan3A_132, %mul3A_192 : vector<16xf32>
      %mul3A_194 = arith.constant 112 : i32
      %mul3A_195 = arith.muli %scan3A_126, %mul3A_194 : i32
      %add3A_196 = arith.constant 96 : i32
      %add3A_197 = arith.addi %mul3A_195, %add3A_196 : i32
      %get3A_198 = arith.index_cast %add3A_197 : i32 to index
      %get3A_199 = tpu.vector_load %arg6[%get3A_198] {strides = array<i32>} : memref<3632xf32, #tpu.memory_space<vmem>>, vector<16xf32>,
      %mul3A_200 = vector.broadcast %squeeze3A_139 : f32 to vector<16xf32>
      %mul3A_201 = arith.mulf %get3A_199, %mul3A_200 : vector<16xf32>
      %add3A_202 = arith.addf %scan3A_133, %mul3A_201 : vector<16xf32>
      scf.yield %add3A_148, %add3A_157, %add3A_166, %add3A_175, %add3A_184, %add3A_193, %add3A_202 : vector<16xf32>, vector<16xf32>, vector<16xf32>, vector<16xf32>, vector<16xf32>, vector<16xf32>, vector<16xf32>
    }
    %scan3A_23 = arith.constant 32 : i32
    %get3A = arith.constant 3616 : index
    %get3A_24 = tpu.vector_load %arg6[%get3A] {strides = array<i32>} : memref<3632xf32, #tpu.memory_space<vmem>>, vector<16xf32>,
    %slice3A = vector.extract_strided_slice %get3A_24 {offsets = [0], sizes = [1], strides = [1]} : vector<16xf32> to vector<1xf32>
    %squeeze3A = vector.extract %slice3A[0] : f32 from vector<1xf32>
    %add3A_25 = vector.broadcast %squeeze3A : f32 to vector<16xf32>
    %add3A_26 = arith.addf %scan3A_22#0, %add3A_25 : vector<16xf32>
    %neg3A = arith.constant 0.000000e+00 : f32
    %neg3A_27 = vector.broadcast %neg3A : f32 to vector<16xf32>
    %neg3A_28 = arith.subf %neg3A_27, %add3A_26 : vector<16xf32>
    %exp3A = math.exp %neg3A_28 : vector<16xf32>
    %add3A_29 = arith.constant 1.000000e+00 : f32
    %add3A_30 = vector.broadcast %add3A_29 : f32 to vector<16xf32>
    %add3A_31 = arith.addf %add3A_30, %exp3A : vector<16xf32>
    %div3A = arith.constant 1.000000e+00 : f32
    %div3A_32 = vector.broadcast %div3A : f32 to vector<16xf32>
    %div3A_33 = arith.divf %div3A_32, %add3A_31 : vector<16xf32>
    %swap3A = arith.constant 0 : index
    %swap3A_34 = tpu.vector_load %arg7[%swap3A] {strides = array<i32>} : memref<112xf32, #tpu.memory_space<vmem>>, vector<16xf32>,
    tpu.vector_store %arg7[%swap3A], %div3A_33 {strides = array<i32>} : memref<112xf32, #tpu.memory_space<vmem>>, vector<16xf32>,
    %add3A_35 = vector.broadcast %squeeze3A : f32 to vector<16xf32>
    %add3A_36 = arith.addf %scan3A_22#1, %add3A_35 : vector<16xf32>
    %neg3A_37 = arith.constant 0.000000e+00 : f32
    %neg3A_38 = vector.broadcast %neg3A_37 : f32 to vector<16xf32>
    %neg3A_39 = arith.subf %neg3A_38, %add3A_36 : vector<16xf32>
    %exp3A_40 = math.exp %neg3A_39 : vector<16xf32>
    %add3A_41 = arith.constant 1.000000e+00 : f32
    %add3A_42 = vector.broadcast %add3A_41 : f32 to vector<16xf32>
    %add3A_43 = arith.addf %add3A_42, %exp3A_40 : vector<16xf32>
    %div3A_44 = arith.constant 1.000000e+00 : f32
    %div3A_45 = vector.broadcast %div3A_44 : f32 to vector<16xf32>
    %div3A_46 = arith.divf %div3A_45, %add3A_43 : vector<16xf32>
    %swap3A_47 = arith.constant 16 : index
    %swap3A_48 = tpu.vector_load %arg7[%swap3A_47] {strides = array<i32>} : memref<112xf32, #tpu.memory_space<vmem>>, vector<16xf32>,
    tpu.vector_store %arg7[%swap3A_47], %div3A_46 {strides = array<i32>} : memref<112xf32, #tpu.memory_space<vmem>>, vector<16xf32>,
    %add3A_49 = vector.broadcast %squeeze3A : f32 to vector<16xf32>
    %add3A_50 = arith.addf %scan3A_22#2, %add3A_49 : vector<16xf32>
    %neg3A_51 = arith.constant 0.000000e+00 : f32
    %neg3A_52 = vector.broadcast %neg3A_51 : f32 to vector<16xf32>
    %neg3A_53 = arith.subf %neg3A_52, %add3A_50 : vector<16xf32>
    %exp3A_54 = math.exp %neg3A_53 : vector<16xf32>
    %add3A_55 = arith.constant 1.000000e+00 : f32
    %add3A_56 = vector.broadcast %add3A_55 : f32 to vector<16xf32>
    %add3A_57 = arith.addf %add3A_56, %exp3A_54 : vector<16xf32>
    %div3A_58 = arith.constant 1.000000e+00 : f32
    %div3A_59 = vector.broadcast %div3A_58 : f32 to vector<16xf32>
    %div3A_60 = arith.divf %div3A_59, %add3A_57 : vector<16xf32>
    %swap3A_61 = arith.constant 32 : index
    %swap3A_62 = tpu.vector_load %arg7[%swap3A_61] {strides = array<i32>} : memref<112xf32, #tpu.memory_space<vmem>>, vector<16xf32>,
    tpu.vector_store %arg7[%swap3A_61], %div3A_60 {strides = array<i32>} : memref<112xf32, #tpu.memory_space<vmem>>, vector<16xf32>,
    %add3A_63 = vector.broadcast %squeeze3A : f32 to vector<16xf32>
    %add3A_64 = arith.addf %scan3A_22#3, %add3A_63 : vector<16xf32>
    %neg3A_65 = arith.constant 0.000000e+00 : f32
    %neg3A_66 = vector.broadcast %neg3A_65 : f32 to vector<16xf32>
    %neg3A_67 = arith.subf %neg3A_66, %add3A_64 : vector<16xf32>
    %exp3A_68 = math.exp %neg3A_67 : vector<16xf32>
    %add3A_69 = arith.constant 1.000000e+00 : f32
    %add3A_70 = vector.broadcast %add3A_69 : f32 to vector<16xf32>
    %add3A_71 = arith.addf %add3A_70, %exp3A_68 : vector<16xf32>
    %div3A_72 = arith.constant 1.000000e+00 : f32
    %div3A_73 = vector.broadcast %div3A_72 : f32 to vector<16xf32>
    %div3A_74 = arith.divf %div3A_73, %add3A_71 : vector<16xf32>
    %swap3A_75 = arith.constant 48 : index
    %swap3A_76 = tpu.vector_load %arg7[%swap3A_75] {strides = array<i32>} : memref<112xf32, #tpu.memory_space<vmem>>, vector<16xf32>,
    tpu.vector_store %arg7[%swap3A_75], %div3A_74 {strides = array<i32>} : memref<112xf32, #tpu.memory_space<vmem>>, vector<16xf32>,
    %add3A_77 = vector.broadcast %squeeze3A : f32 to vector<16xf32>
    %add3A_78 = arith.addf %scan3A_22#4, %add3A_77 : vector<16xf32>
    %neg3A_79 = arith.constant 0.000000e+00 : f32
    %neg3A_80 = vector.broadcast %neg3A_79 : f32 to vector<16xf32>
    %neg3A_81 = arith.subf %neg3A_80, %add3A_78 : vector<16xf32>
    %exp3A_82 = math.exp %neg3A_81 : vector<16xf32>
    %add3A_83 = arith.constant 1.000000e+00 : f32
    %add3A_84 = vector.broadcast %add3A_83 : f32 to vector<16xf32>
    %add3A_85 = arith.addf %add3A_84, %exp3A_82 : vector<16xf32>
    %div3A_86 = arith.constant 1.000000e+00 : f32
    %div3A_87 = vector.broadcast %div3A_86 : f32 to vector<16xf32>
    %div3A_88 = arith.divf %div3A_87, %add3A_85 : vector<16xf32>
    %swap3A_89 = arith.constant 64 : index
    %swap3A_90 = tpu.vector_load %arg7[%swap3A_89] {strides = array<i32>} : memref<112xf32, #tpu.memory_space<vmem>>, vector<16xf32>,
    tpu.vector_store %arg7[%swap3A_89], %div3A_88 {strides = array<i32>} : memref<112xf32, #tpu.memory_space<vmem>>, vector<16xf32>,
    %add3A_91 = vector.broadcast %squeeze3A : f32 to vector<16xf32>
    %add3A_92 = arith.addf %scan3A_22#5, %add3A_91 : vector<16xf32>
    %neg3A_93 = arith.constant 0.000000e+00 : f32
    %neg3A_94 = vector.broadcast %neg3A_93 : f32 to vector<16xf32>
    %neg3A_95 = arith.subf %neg3A_94, %add3A_92 : vector<16xf32>
    %exp3A_96 = math.exp %neg3A_95 : vector<16xf32>
    %add3A_97 = arith.constant 1.000000e+00 : f32
    %add3A_98 = vector.broadcast %add3A_97 : f32 to vector<16xf32>
    %add3A_99 = arith.addf %add3A_98, %exp3A_96 : vector<16xf32>
    %div3A_100 = arith.constant 1.000000e+00 : f32
    %div3A_101 = vector.broadcast %div3A_100 : f32 to vector<16xf32>
    %div3A_102 = arith.divf %div3A_101, %add3A_99 : vector<16xf32>
    %swap3A_103 = arith.constant 80 : index
    %swap3A_104 = tpu.vector_load %arg7[%swap3A_103] {strides = array<i32>} : memref<112xf32, #tpu.memory_space<vmem>>, vector<16xf32>,
    tpu.vector_store %arg7[%swap3A_103], %div3A_102 {strides = array<i32>} : memref<112xf32, #tpu.memory_space<vmem>>, vector<16xf32>,
    %add3A_105 = vector.broadcast %squeeze3A : f32 to vector<16xf32>
    %add3A_106 = arith.addf %scan3A_22#6, %add3A_105 : vector<16xf32>
    %neg3A_107 = arith.constant 0.000000e+00 : f32
    %neg3A_108 = vector.broadcast %neg3A_107 : f32 to vector<16xf32>
    %neg3A_109 = arith.subf %neg3A_108, %add3A_106 : vector<16xf32>
    %exp3A_110 = math.exp %neg3A_109 : vector<16xf32>
    %add3A_111 = arith.constant 1.000000e+00 : f32
    %add3A_112 = vector.broadcast %add3A_111 : f32 to vector<16xf32>
    %add3A_113 = arith.addf %add3A_112, %exp3A_110 : vector<16xf32>
    %div3A_114 = arith.constant 1.000000e+00 : f32
    %div3A_115 = vector.broadcast %div3A_114 : f32 to vector<16xf32>
    %div3A_116 = arith.divf %div3A_115, %add3A_113 : vector<16xf32>
    %swap3A_117 = arith.constant 96 : index
    %swap3A_118 = tpu.vector_load %arg7[%swap3A_117] {strides = array<i32>} : memref<112xf32, #tpu.memory_space<vmem>>, vector<16xf32>,
    tpu.vector_store %arg7[%swap3A_117], %div3A_116 {strides = array<i32>} : memref<112xf32, #tpu.memory_space<vmem>>, vector<16xf32>,
    %dma_wait3A = tpu.memref_slice %arg2[%mul3A_2] : memref<16384xi32, #tpu.memory_space<hbm>> -> memref<512xi32, #tpu.memory_space<hbm>>
    %dma_wait3A_119 = tpu.memref_slice %arg2[%mul3A_2] : memref<16384xi32, #tpu.memory_space<hbm>> -> memref<512xi32, #tpu.memory_space<hbm>>
    tpu.wait_dma2 semaphore(%arg9 : memref<!tpu.dma_semaphore, #tpu.memory_space<semaphore_mem>>) src(%dma_wait3A_119 : memref<512xi32, #tpu.memory_space<hbm>>) dst(%arg5 : memref<512xi32, #tpu.memory_space<vmem>>)
    %scan3A_120 = arith.constant 0 : i32
    %scan3A_121 = arith.constant 0 : i32
    %scan3A_122 = arith.constant 32 : i32
    %scan3A_123 = arith.addi %scan3A_121, %scan3A_122 : i32
    %scan3A_124 = arith.constant 1 : i32
    scf.for %scan3A_126 = %scan3A_121 to %scan3A_123 step %scan3A_124  : i32 {
      %mul3A_127 = arith.constant 16 : i32
      %mul3A_128 = arith.muli %scan3A_126, %mul3A_127 : i32
      %get3A_129 = arith.index_cast %mul3A_128 : i32 to index
      %get3A_130 = tpu.vector_load %arg5[%get3A_129] {strides = array<i32>} : memref<512xi32, #tpu.memory_space<vmem>>, vector<16xi32>,
      %gather3A = tpu.vector_load_idx %arg7[%get3A_130] : memref<112xf32, #tpu.memory_space<vmem>>[vector<16xi32>], vector<16xf32>,
      %swap3A_131 = arith.index_cast %mul3A_128 : i32 to index
      %swap3A_132 = tpu.vector_load %arg8[%swap3A_131] {strides = array<i32>} : memref<512xf32, #tpu.memory_space<vmem>>, vector<16xf32>,
      tpu.vector_store %arg8[%swap3A_131], %gather3A {strides = array<i32>} : memref<512xf32, #tpu.memory_space<vmem>>, vector<16xf32>,
    }
    %scan3A_125 = arith.constant 32 : i32
    "tpu.region"() ({
      %run_scoped3A = tpu.sem_alloc : memref<!tpu.dma_semaphore, #tpu.memory_space<semaphore_mem>>
      %dma_start3A_126 = tpu.memref_slice %arg4[%mul3A_2] : memref<16384xf32, #tpu.memory_space<hbm>> -> memref<512xf32, #tpu.memory_space<hbm>>
      %dma_start3A_127 = tpu.memref_slice %arg4[%mul3A_2] : memref<16384xf32, #tpu.memory_space<hbm>> -> memref<512xf32, #tpu.memory_space<hbm>>
      tpu.enqueue_dma source(%arg8 : memref<512xf32, #tpu.memory_space<vmem>>) target(%dma_start3A_127 : memref<512xf32, #tpu.memory_space<hbm>>) target_semaphore(%run_scoped3A : memref<!tpu.dma_semaphore, #tpu.memory_space<semaphore_mem>>)
      %dma_wait3A_128 = tpu.memref_slice %arg4[%mul3A_2] : memref<16384xf32, #tpu.memory_space<hbm>> -> memref<512xf32, #tpu.memory_space<hbm>>
      %dma_wait3A_129 = tpu.memref_slice %arg4[%mul3A_2] : memref<16384xf32, #tpu.memory_space<hbm>> -> memref<512xf32, #tpu.memory_space<hbm>>
      tpu.wait_dma2 semaphore(%run_scoped3A : memref<!tpu.dma_semaphore, #tpu.memory_space<semaphore_mem>>) src(%arg8 : memref<512xf32, #tpu.memory_space<vmem>>) dst(%dma_wait3A_129 : memref<512xf32, #tpu.memory_space<hbm>>)
      tpu.yield
    }) : () -> ()
    return
  }
}

</mosaic_0001>

<sc_bundles>
// kernel: kernel.3.cloned.1.call-start
scs
__scs_entry_jumppad:
0x0: {  	(pc) =	sbr.rel $0x88, $3  }
0x1: {  	(tag) =	ssettag $0x0;
	lr =	simm.s32 $0x1  }
0x2: {  	[smem:$0x3F9D] =	sst lr;
	_ =	strace $0xD0000000  }
0x3: {  	_ = 	snop  }
0x4: {  	_ = 	snop  }
0x5: {  	_ = 	snop  }
0x6: {  	_ = 	snop  }
0x7: {  	_ = 	snop  }
__scs_overlays_trampoline_lowered:
0x8: {  	[smem:$0x3FAC] =	sst s0  }
0x9: {  	[smem:$0x3FAD] =	sst s1  }
0xa: {  	[smem:$0x3FAE] =	sst s2  }
0xb: {  	[smem:$0x3FAF] =	sst s3  }
0xc: {  	[smem:$0x3FB0] =	sst s4  }
0xd: {  	[smem:$0x3FB1] =	sst s5  }
0xe: {  	[smem:$0x3FB2] =	sst s6  }
0xf: {  	[smem:$0x3FB3] =	sst s7  }
0x10: {  	[smem:$0x3FB4] =	sst s8  }
0x11: {  	[smem:$0x3FB5] =	sst s9;
	s0 =	simm.s32 @!p0 $0x0  }
0x12: {  	s1 =	sld [smem:$0x3F9B];
	s0 =	simm.s32 @p0 $0x1  }
0x13: {  	[smem:$0x3FB6] =	sst s0;
	s0 =	simm.s32 @!p1 $0x0  }
0x14: {  	s2 =	sld [smem:$0x3F9A];
	s0 =	simm.s32 @p1 $0x1  }
0x15: {  	[smem:$0x3FB7] =	sst s0;
	s0 =	simm.s32 @!p2 $0x0  }
0x16: {  	s3 =	sld [smem:$0x3FDB];
	s0 =	simm.s32 @p2 $0x1  }
0x17: {  	s4 =	simm.s32 $0x1BF5;
	[smem:$0x3FB9] =	sst s0  }
0x18: {  	s0 =	sld [smem:$0x3F9C];
	_ =	swait.ge [sflag:s4], $0x0  }
0x19: {  	s7 =	sld [smem:$0x3F9D]  }
0x1a: {  	s8 =	sadd.s32 $0xFFFFE003, lr  }
0x1b: {  	s9 =	sadd.s32 $0xFFFFFEF7, lr;
	s5 =	simm.s32 $0xFFFFFFFF;
	p2 =	slt.u32 s8, $0xFFFFF086  }
0x1c: {  	p1 =	slt.u32 s9, $0xF7A;
	s5 =	simm.s32 @!p2 $0x0  }
0x1d: {  	s5 =	simm.s32 @p1 $0x1;
	p0 =	seq.s32 s7, s2  }
0x1e: {  	s7 =	smul.u32 @!p0 $0xF7A, s2;
	p2 =	seq.s32 @!p0 s5, $0x0  }
0x1f: {  	s9 =	smul.u32 $0xF7A, s1;
	s8 =	simm.s32 @!p0 $0x1BF5;
	p2 =	por !p2, p0  }
0x20: {  	[sflag:s8] =	ssyncset.s32 @!p0 $0xFFFFF086;
	s6 =	sadd.s32 @!p0 s3, s7;
	s7 =	simm.s32 @!p0 $0x108  }
0x21: {  	s3 =	sadd.s32 s3, s9;
	s6 =	sadd.s32 @!p0 $0x88, s6;
	s7 =	simm.s32 @p2 $0x1082  }
0x22: {  	[simem:s7], [sflag:s8] =	dma.local @!p0 [hbm:s6], $0xF7A  }
0x23: {  	s9 =	sor.u32 $0xD0000000, s2;
	s6 =	simm.s32 $0x108;
	_ =	swait.ge @!p0 [sflag:s8], $0x0  }
0x24: {  	s3 =	sadd.s32 $0x88, s3;
	s6 =	simm.s32 @!p1 $0x1082;
	[sflag:s4] =	ssyncset.s32 $0xFFFFF086  }
0x25: {  	[simem:s6], [sflag:s4] =	dma.local [hbm:s3], $0xF7A  }
0x26: {  	[smem:$0x3F9D] =	sst s1;
	(tag) =	ssettag s2;
	_ =	strace s9  }
0x27: {  	s1 =	sld [smem:$0x3FAD]  }
0x28: {  	s2 =	sld [smem:$0x3FAE]  }
0x29: {  	s4 =	sld [smem:$0x3FB0]  }
0x2a: {  	p0 =	seq.s32 s5, $0x0;
	s5 =	sld [smem:$0x3FB1]  }
0x2b: {  	s6 =	sld [smem:$0x3FB2]  }
0x2c: {  	s7 =	sld [smem:$0x3FB3]  }
0x2d: {  	s3 =	simm.s32 $0x108;
	s8 =	sld [smem:$0x3FB4]  }
0x2e: {  	s3 =	simm.s32 @!p0 $0x1082;
	s9 =	sld [smem:$0x3FB5]  }
0x2f: {  	lr =	sadd.s32 s0, s3;
	s0 =	sld [smem:$0x3FAC]  }
0x30: {  	s3 =	sld [smem:$0x3FAF]  }
0x31: {  	[smem:$0x3FB8] =	sst s10  }
0x32: {  	s10 =	sld [smem:$0x3FB6];
	_ =	sdelay $0x3  }
0x33: {  	p0 =	seq.s32 s10, $0x1;
	s10 =	sld [smem:$0x3FB8];
	_ =	sdelay $0x3  }
0x34: {  	[smem:$0x3FB8] =	sst s10  }
0x35: {  	s10 =	sld [smem:$0x3FB7];
	_ =	sdelay $0x3  }
0x36: {  	p1 =	seq.s32 s10, $0x1;
	s10 =	sld [smem:$0x3FB8];
	_ =	sdelay $0x3  }
0x37: {  	[smem:$0x3FB8] =	sst s10  }
0x38: {  	s10 =	sld [smem:$0x3FB9]  }
0x39: {  	_ = 	snop;
	(pc) =	sbr.ind lr, $3  }
0x3a: {  	_ = 	snop  }
0x3b: {  	_ = 	snop  }
0x3c: {  	p2 =	seq.s32 s10, $0x1;
	s10 =	sld [smem:$0x3FB8]  }
0x3d: {  	_ =	shalt  }
0x3e: {  	_ =	shalt  }
0x3f: {  	_ =	shalt  }
0x40: {  	_ =	shalt  }
0x41: {  	_ =	shalt  }
0x42: {  	_ =	shalt  }
0x43: {  	_ =	shalt  }
0x44: {  	_ =	shalt  }
0x45: {  	_ =	shalt  }
0x46: {  	_ =	shalt  }
0x47: {  	_ =	shalt  }
0x48: {  	_ =	shalt  }
0x49: {  	_ =	shalt  }
0x4a: {  	_ =	shalt  }
0x4b: {  	_ =	shalt  }
0x4c: {  	_ =	shalt  }
0x4d: {  	_ =	shalt  }
0x4e: {  	_ =	shalt  }
0x4f: {  	_ =	shalt  }
0x50: {  	_ =	shalt  }
0x51: {  	_ =	shalt  }
0x52: {  	_ =	shalt  }
0x53: {  	_ =	shalt  }
0x54: {  	_ =	shalt  }
0x55: {  	_ =	shalt  }
0x56: {  	_ =	shalt  }
0x57: {  	_ =	shalt  }
0x58: {  	_ =	shalt  }
0x59: {  	_ =	shalt  }
0x5a: {  	_ =	shalt  }
0x5b: {  	_ =	shalt  }
0x5c: {  	_ =	shalt  }
0x5d: {  	_ =	shalt  }
0x5e: {  	_ =	shalt  }
0x5f: {  	_ =	shalt  }
0x60: {  	_ =	shalt  }
0x61: {  	_ =	shalt  }
0x62: {  	_ =	shalt  }
0x63: {  	_ =	shalt  }
0x64: {  	_ =	shalt  }
0x65: {  	_ =	shalt  }
0x66: {  	_ =	shalt  }
0x67: {  	_ =	shalt  }
0x68: {  	_ =	shalt  }
0x69: {  	_ =	shalt  }
0x6a: {  	_ =	shalt  }
0x6b: {  	_ =	shalt  }
0x6c: {  	_ =	shalt  }
0x6d: {  	_ =	shalt  }
0x6e: {  	_ =	shalt  }
0x6f: {  	_ =	shalt  }
0x70: {  	_ =	shalt  }
0x71: {  	_ =	shalt  }
0x72: {  	_ =	shalt  }
0x73: {  	_ =	shalt  }
0x74: {  	_ =	shalt  }
0x75: {  	_ =	shalt  }
0x76: {  	_ =	shalt  }
0x77: {  	_ =	shalt  }
0x78: {  	_ =	shalt  }
0x79: {  	_ =	shalt  }
0x7a: {  	_ =	shalt  }
0x7b: {  	_ =	shalt  }
0x7c: {  	_ =	shalt  }
0x7d: {  	_ =	shalt  }
0x7e: {  	_ =	shalt  }
0x7f: {  	_ =	shalt  }
0x80: {  	_ =	shalt  }
0x81: {  	_ =	shalt  }
0x82: {  	_ =	shalt  }
0x83: {  	_ =	shalt  }
0x84: {  	_ =	shalt  }
0x85: {  	_ =	shalt  }
0x86: {  	_ =	shalt  }
0x87: {  	_ =	shalt  }
.Lfunc_end0:
.L_simem_size_0:
called_computation_lowered:
.L_overlay_start_0:
0x88: {  	s2 =	sld [smem:$0x3FD9]  }
0x89: {  	s3 =	sld [smem:$0x3FFE];
	_ =	sdelay $0x1  }
0x8a: {  	s1 =	srdreg.scid  }
0x8b: {  	s0 =	sand.u32 $0x1, s1  }
0x8c: {  	s17 =	sshll.u32 s0, $0xA;
	s2 =	sadd.s32 s3, s2  }
0x8d: {  	s2 =	sadd.s32 s2, s17  }
0x8e: {  	[smem:$0x3FC4] =	sst s2  }
0x8f: {  	_ = 	snop  }
0x90: {  	s2 =	sld [smem:$0x3FC9]  }
0x91: {  	s18 =	sld [smem:$0x3FD0];
	(tm) =	ssettm $0x1  }
0x92: {  	s4 =	sld [smem:$0x3FFB];
	_ =	sdelay $0x3  }
0x93: {  	_ =	strace s4  }
0x94: {  	s4 =	sld [smem:$0x3FFC];
	_ =	sdelay $0x3  }
0x95: {  	_ =	strace s4  }
0x96: {  	s4 =	sld [smem:$0x3FFD];
	_ =	sdelay $0x3  }
0x97: {  	_ =	strace s4  }
0x98: {  	_ =	strace $0x8FFFFFFF  }
0x99: {  	s19 =	sld [smem:$0x3FDB];
	_ =	sdelay $0x1  }
0x9a: {  	s5 =	simm.s32 $_scs_section_size  }
0x9b: {  	s6 =	simm.s32 $_size__tile_overlayer_lowered;
	s7 =	simm.s32 $_tile_overlayer_lowered  }
0x9c: {  	s22 =	simm.s32 $0x1BFF;
	s21 =	sshll.u32 s7, $0x1;
	s4 =	sadd.s32 s5, s19  }
0x9d: {  	s8 =	simm.s32 $0x0;
	s20 =	sshll.u32 s6, $0x1;
	s6 =	sadd.s32 s21, s4  }
0x9e: {  	[timem:s8], [sflag:s22] =	dma.local [hbm:s6], s20  }
0x9f: {  	_ =	swait.ge [sflag:s22], s20  }
0xa0: {  	s5 =	ssub.s32 $0x0, s20;
	[sflag:s22] =	ssyncset.done $0x0  }
0xa1: {  	[sflag:s22] =	ssyncadd.s32 s5;
	_ =	sdelay $0x1  }
0xa2: {  	s23 =	simm.s32 $0x1B8B  }
0xa3: {  	_ =	swait.ge [sflag:s23], $0x1  }
0xa4: {  	[sflag:s23] =	ssyncset.done $0x0  }
0xa5: {  	s25 =	simm.s32 $0x1B8E;
	s24 =	sld [smem:$0x3FFE];
	[sflag:s23] =	ssyncadd.s32 $0xFFFFFFFF  }
0xa6: {  	s26 =	simm.s32 $execute0_lowered;
	[smem:$0x3FD2] =	sst s25  }
0xa7: {  	s6 =	sshll.u32 s26, $0x1;
	_ =	strace $0x80000046;
	[dreg:$0x1] =	wrdreg $0xFFFFFFFF  }
0xa8: {  	s28 =	simm.s32 $_size_execute0_lowered;
	s4 =	sadd.s32 s4, s6;
	[dreg:$0x0] =	wrdreg $0x0  }
0xa9: {  	s6 =	sshll.u32 s28, $0x1;
	[dreg:$0x2] =	wrdreg s4  }
0xaa: {  	[dreg:$0x3] =	wrdreg s6  }
0xab: {  	[dreg:$0x4] =	wrdreg $0xC0  }
0xac: {  	_ =	task [dreg:s8], $0x5FFFF  }
0xad: {  	[dreg:$0x1] =	wrdreg $0xFFFFFFFF  }
0xae: {  	[dreg:$0x0] =	wrdreg $0x60  }
0xaf: {  	[dreg:$0x2] =	wrdreg s2  }
0xb0: {  	[dreg:$0x3] =	wrdreg s24  }
0xb1: {  	[dreg:$0x4] =	wrdreg s18  }
0xb2: {  	[dreg:$0x5] =	wrdreg $0x9  }
0xb3: {  	_ =	task.clear_ibuf [dreg:s8], $0x6FFFF;
	_ =	strace $0x90000046  }
0xb4: {  	s29 =	simm.s32 $0x9;
	_ =	strace $0x80000048  }
0xb5: {  	_ =	swait.ge [sflag:s29], $0x1  }
0xb6: {  	[sflag:s29] =	ssyncadd.s32 $0xFFFFFFFF  }
0xb7: {  	_ =	strace $0x90000048  }
0xb8: {  	_ =	sfence  }
0xb9: {  	s30 =	sld [smem:$0x0];
	_ =	sdelay $0x2  }
0xba: {  	s31 =	sshll.u32 s1, $0xD;
	s1 =	sshrl.u32 s1, $0x2  }
0xbb: {  	s3 =	sand.u32 $0x4000, s31;
	s1 =	sadd.s32 s1, s30  }
0xbc: {  	s0 =	sor.u32 s3, s0;
	s1 =	sshll.u32 s1, $0x11  }
0xbd: {  	s0 =	sor.u32 s1, s0  }
0xbe: {  	s0 =	sadd.s32 $0x8F2B, s0  }
0xbf: {  	[sflag:s0] =	ssyncadd.remote.s32 $0x1  }
0xc0: {  	_ =	sfence.sel $0xFFFF  }
0xc1: {  	[dreg:$0x0] =	wrdreg $0xFFFFFFFF;
	(pc) =	sbr.abs _section_cstart, $3  }
0xc2: {  	[dreg:$0x1] =	wrdreg $0xFFFFFFFF  }
0xc3: {  	_ =	task.clear_ibuf [dreg:s8], $0x2FFFF;
	_ =	strace $0x9FFFFFFF  }
0xc4: {  	(tm) =	ssettm $0x7FFFFFFF  }
0xc5: {  	_ =	shalt  }
tec
execute0_lowered:
.L_overlay_start_1:
0x0: {  	(tag) =	ssettag $0x1  }
0x1: {  	s4 =	rddreg [dreg:$0x0]  }
0x2: {  	s3 =	rddreg [dreg:$0x1]  }
0x3: {  	s5 =	rddreg [dreg:$0x2]  }
0x4: {  	s0 =	rddreg [dreg:$0x3];
	s2 =	simm.s32 $0x0;
	s6 =	srdreg.scid  }
0x5: {  	s1 =	stileid.u32;
	s10 =	simm.s32 $0x1080;
	s11 =	simm.s32 $0x1100  }
0x6: {  	s12 =	simm.s32 $0x3;
	s13 =	simm.s32 $0x0;
	[smem:$0x7FF] =	sst s2  }
0x7: {  	s6 =	sand.u32 $0x1, s6;
	s8 =	sshll.u32 s1, $0x7;
	s3 =	sadd.s32 $0x600, s3  }
0x8: {  	s7 =	ssub.s32 $0x2, s6;
	s6 =	sshll.u32 s6, $0x6;
	_ =	strace $0x80000047  }
0x9: {  	s9 =	sshrl.u32 s7, $0x1;
	s6 =	sor.u32 s6, s8;
	s8 =	simm.s32 $0x2  }
0xa: {  	s7 =	ssub.s32 s7, s9;
	s4 =	sadd.s32 s4, s6;
	s5 =	sadd.s32 s5, s6  }
0xb: {  	s9 =	simm.s32 $0x1;
	s6 =	smax.u32 s7, $0x1;
	s7 =	simm.s32 $0x200  }
.LBB2_1:
0xc: {  	[tilespmem:s2], [sflag:$0x1] =	stream.linear.gather [hbm4b:s4+s2], $0x200, $0x38;
	[tilespmem:$0x1300] =	vst v63  }
0xd: {  	s14 =	simm.s32 $0xE00  }
0xe: {  	v0 =	vmov s14  }
0xf: {  	[tilespmem:s7], [sflag:$0x2] =	stream.linear.gather [hbm4b:s3+s2], $0xE80, $0x38;
	[tilespmem:$0x1300] =	vst v63  }
0x10: {  	_ =	swait.ge [sflag:s8], $0xE80  }
0x11: {  	[sflag:s8] =	ssyncset.done $0x0  }
0x12: {  	[sflag:s8] =	ssyncadd.s32 $0xFFFFF180  }
0x13: {  	s30 =	simm.s32 $0x230;
	v0 =	vld.idx.msk [tilespmem:v0+s7+$0x0], $0xffff  }
0x14: {  	s15 =	simm.s32 $0xE01;
	v2 =	vld [tilespmem:s30+$0x30]  }
0x15: {  	v3 =	vmov s15;
	v4 =	vld [tilespmem:s30+$0xFFFFFFD0]  }
0x16: {  	v5 =	vld [tilespmem:s30+$0xFFFFFFE0]  }
0x17: {  	v8 =	vld [tilespmem:s30+$0xFFFFFFF0];
	_ =	sdelay $0x1  }
0x18: {  	s31 =	simm.s32 $0xE02;
	v7 =	vld [tilespmem:s30+$0x0];
	v1 =	vbroadcast v0, $0x0  }
0x19: {  	v10 =	vimm.f32 $0.0e+00;
	v9 =	vimm.f32 $0.0e+00;
	v15 =	vmov s31;
	v12 =	vld.idx.msk [tilespmem:v3+s7+$0x0], $0xffff  }
0x1a: {  	v6 =	vld [tilespmem:s30+$0x10];
	v3 =	vimm.f32 $0.0e+00;
	v0 =	vmul.f32 v2, v1;
	v2 =	vmul.f32 v1, v4  }
0x1b: {  	s14 =	simm.s32 $0x2A0;
	v14 =	vmul.f32 v5, v1;
	v4 =	vld [tilespmem:s30+$0x20];
	v13 =	vmul.f32 v8, v1;
	v8 =	vimm.f32 $0.0e+00  }
0x1c: {  	s15 =	simm.s32 $0xE03;
	v5 =	vimm.f32 $0.0e+00;
	v0 =	vadd.f32 v0, v10;
	v11 =	vadd.f32 v2, v10;
	v2 =	vld [tilespmem:s14+$0x30]  }
.LBB2_2:
0x1d: {  	p0 =	sne.s32 s15, $0xE1F;
	v16 =	vld [tilespmem:s14+$0xFFFFFFD0];
	v10 =	vadd.f32 v14, v10;
	v7 =	vmul.f32 v7, v1  }
0x1e: {  	v14 =	vld [tilespmem:s14+$0xFFFFFFE0];
	v9 =	vadd.f32 v13, v9  }
0x1f: {  	v13 =	vbroadcast v12, $0x0;
	v17 =	vld [tilespmem:s14+$0xFFFFFFF0];
	v8 =	vadd.f32 v7, v8;
	v6 =	vmul.f32 v6, v1  }
.Ltmp0:
0x20: {  	v7 =	vld [tilespmem:s14+$0x0];
	v4 =	vmul.f32 v4, v1;
	(pc) =	sbr.rel @p0 .LBB2_2-.Ltmp0, $4  }
0x21: {  	v1 =	vmov v13;
	v12 =	vld.idx.msk [tilespmem:v15+s7+$0x0], $0xffff;
	v2 =	vmul.f32 v2, v13;
	v5 =	vadd.f32 v6, v5  }
0x22: {  	v13 =	vmul.f32 v1, v16;
	v6 =	vld [tilespmem:s14+$0x10];
	v3 =	vadd.f32 v4, v3  }
0x23: {  	v14 =	vmul.f32 v14, v1;
	v4 =	vld [tilespmem:s14+$0x20];
	v0 =	vadd.f32 v2, v0;
	s14 =	sadd.s32 $0x70, s14  }
0x24: {  	v15 =	vmov s15;
	s15 =	sadd.s32 $0x1, s15;
	v2 =	vld [tilespmem:s14+$0x30];
	v11 =	vadd.f32 v13, v11;
	v13 =	vmul.f32 v17, v1  }
0x25: {  	_ =	sdelay $0x2  }
0x26: {  	v16 =	vld [tilespmem:s14+$0xFFFFFFD0]  }
0x27: {  	v15 =	vld.idx.msk [tilespmem:v15+s7+$0x0], $0xffff  }
0x28: {  	s15 =	sadd.s32 $0x70, s14  }
0x29: {  	v17 =	vld [tilespmem:s15+$0xFFFFFFD0]  }
0x2a: {  	v12 =	vbroadcast v12, $0x0;
	_ =	sdelay $0x1  }
0x2b: {  	v16 =	vmul.f32 v12, v16;
	v15 =	vbroadcast v15, $0x0  }
0x2c: {  	v18 =	vld.msk [tilespmem:$0x1020 ss:$0x0], $0xffff  }
0x2d: {  	v11 =	vadd.f32 v16, v11;
	v36 =	vmul.f32 v15, v17;
	_ =	sdelay $0x1  }
0x2e: {  	v11 =	vadd.f32 v36, v11;
	_ =	sdelay $0x1  }
0x2f: {  	v11 =	vadd.f32 v18, v11;
	_ =	sdelay $0x1  }
0x30: {  	v37 =	vld [tilespmem:s14+$0xFFFFFFE0];
	v11 =	vsub.f32 $0.0e+00, v11;
	_ =	sdelay $0x1  }
0x31: {  	v38 =	vld [tilespmem:s15+$0xFFFFFFE0];
	v11 =	vmul.f32 $1.442695020e+00, v11;
	_ =	sdelay $0x1  }
0x32: {  	(erf) = vpow2.f32 v11  }
0x33: {  	v10 =	vadd.f32 v14, v10;
	v39 =	vmul.f32 v37, v12;
	_ =	sdelay $0x1  }
0x34: {  	v10 =	vadd.f32 v39, v10;
	v40 =	vmul.f32 v38, v15;
	_ =	sdelay $0x1  }
0x35: {  	v10 =	vadd.f32 v40, v10;
	_ =	sdelay $0x1  }
0x36: {  	v10 =	vadd.f32 v18, v10;
	_ =	sdelay $0x1  }
0x37: {  	v41 =	vld [tilespmem:s14+$0xFFFFFFF0];
	v10 =	vsub.f32 $0.0e+00, v10;
	v42 =	vpop (erf)  }
0x38: {  	v14 =	vadd.f32 $1.000000000e+00, v42  }
0x39: {  	v43 =	vld [tilespmem:s15+$0xFFFFFFF0];
	v10 =	vmul.f32 $1.442695020e+00, v10  }
0x3a: {  	(erf) = vrcp.f32 v14  }
0x3b: {  	(erf) = vpow2.f32 v10  }
0x3c: {  	v9 =	vadd.f32 v13, v9;
	v44 =	vmul.f32 v41, v12;
	_ =	sdelay $0x1  }
0x3d: {  	v9 =	vadd.f32 v44, v9;
	v45 =	vmul.f32 v43, v15;
	_ =	sdelay $0x1  }
0x3e: {  	v9 =	vadd.f32 v45, v9;
	_ =	sdelay $0x1  }
0x3f: {  	v9 =	vadd.f32 v18, v9  }
0x40: {  	v46 =	vpop (erf)  }
0x41: {  	v47 =	vld [tilespmem:s14+$0x0];
	v9 =	vsub.f32 $0.0e+00, v9;
	v48 =	vpop (erf)  }
0x42: {  	v13 =	vadd.f32 $1.000000000e+00, v48  }
0x43: {  	v49 =	vld [tilespmem:s15+$0x0];
	v9 =	vmul.f32 $1.442695020e+00, v9  }
0x44: {  	v7 =	vmul.f32 v7, v1;
	(erf) = vrcp.f32 v13  }
0x45: {  	(erf) = vpow2.f32 v9  }
0x46: {  	v7 =	vadd.f32 v7, v8;
	v50 =	vmul.f32 v47, v12;
	_ =	sdelay $0x1  }
0x47: {  	v7 =	vadd.f32 v50, v7;
	v51 =	vmul.f32 v49, v15;
	_ =	sdelay $0x1  }
0x48: {  	v7 =	vadd.f32 v51, v7;
	_ =	sdelay $0x1  }
0x49: {  	v7 =	vadd.f32 v18, v7  }
0x4a: {  	v52 =	vpop (erf)  }
0x4b: {  	v53 =	vld [tilespmem:s14+$0x10];
	v7 =	vsub.f32 $0.0e+00, v7;
	v54 =	vpop (erf)  }
0x4c: {  	v11 =	vadd.f32 $1.000000000e+00, v54  }
0x4d: {  	v55 =	vld [tilespmem:s15+$0x10];
	v7 =	vmul.f32 $1.442695020e+00, v7  }
0x4e: {  	v6 =	vmul.f32 v6, v1;
	(erf) = vrcp.f32 v11  }
0x4f: {  	(erf) = vpow2.f32 v7  }
0x50: {  	v5 =	vadd.f32 v6, v5;
	v56 =	vmul.f32 v53, v12;
	_ =	sdelay $0x1  }
0x51: {  	v5 =	vadd.f32 v56, v5;
	v57 =	vmul.f32 v55, v15;
	_ =	sdelay $0x1  }
0x52: {  	v5 =	vadd.f32 v57, v5;
	_ =	sdelay $0x1  }
0x53: {  	v5 =	vadd.f32 v18, v5  }
0x54: {  	v58 =	vpop (erf)  }
0x55: {  	v59 =	vld [tilespmem:s14+$0x20];
	v5 =	vsub.f32 $0.0e+00, v5;
	v60 =	vpop (erf)  }
0x56: {  	v9 =	vadd.f32 $1.000000000e+00, v60  }
0x57: {  	v61 =	vld [tilespmem:s15+$0x20];
	v5 =	vmul.f32 $1.442695020e+00, v5  }
0x58: {  	v1 =	vmul.f32 v4, v1;
	(erf) = vrcp.f32 v9  }
0x59: {  	(erf) = vpow2.f32 v5  }
0x5a: {  	v1 =	vadd.f32 v1, v3;
	v3 =	vmul.f32 v59, v12;
	_ =	sdelay $0x1  }
0x5b: {  	v1 =	vadd.f32 v3, v1;
	v3 =	vmul.f32 v61, v15;
	_ =	sdelay $0x1  }
0x5c: {  	v1 =	vadd.f32 v3, v1;
	_ =	sdelay $0x1  }
0x5d: {  	v1 =	vadd.f32 v18, v1  }
0x5e: {  	v3 =	vpop (erf)  }
0x5f: {  	v1 =	vsub.f32 $0.0e+00, v1;
	v62 =	vpop (erf)  }
0x60: {  	v4 =	vadd.f32 $1.000000000e+00, v62  }
0x61: {  	v63 =	vld [tilespmem:s15+$0x30];
	v1 =	vmul.f32 $1.442695020e+00, v1  }
0x62: {  	(erf) = vrcp.f32 v4  }
0x63: {  	(erf) = vpow2.f32 v1  }
0x64: {  	v1 =	vmul.f32 v2, v12;
	_ =	sdelay $0x1  }
0x65: {  	v0 =	vadd.f32 v1, v0;
	v1 =	vmul.f32 v63, v15;
	_ =	sdelay $0x1  }
0x66: {  	v0 =	vadd.f32 v1, v0;
	_ =	sdelay $0x1  }
0x67: {  	v0 =	vadd.f32 v18, v0  }
0x68: {  	v1 =	vpop (erf)  }
0x69: {  	v0 =	vsub.f32 $0.0e+00, v0;
	v2 =	vpop (erf)  }
0x6a: {  	v2 =	vadd.f32 $1.000000000e+00, v2  }
0x6b: {  	v0 =	vmul.f32 $1.442695020e+00, v0  }
0x6c: {  	(erf) = vrcp.f32 v2  }
0x6d: {  	(erf) = vpow2.f32 v0;
	_ =	sdelay $0x7  }
0x6e: {  	v0 =	vpop (erf)  }
0x6f: {  	v2 =	vpop (erf)  }
0x70: {  	v2 =	vadd.f32 $1.000000000e+00, v2;
	_ =	sdelay $0x1  }
0x71: {  	(erf) = vrcp.f32 v2;
	_ =	sdelay $0x3  }
0x72: {  	[tilespmem:$0x1080] =	vst v46  }
0x73: {  	[tilespmem:$0x1090] =	vst v52  }
0x74: {  	[tilespmem:$0x10A0] =	vst v58  }
0x75: {  	[tilespmem:$0x10B0] =	vst v3  }
0x76: {  	[tilespmem:$0x10C0] =	vst v1  }
0x77: {  	[tilespmem:$0x10D0] =	vst v0;
	v0 =	vpop (erf)  }
0x78: {  	[tilespmem:$0x10E0] =	vst v0  }
0x79: {  	_ =	swait.ge [sflag:s9], $0x200  }
0x7a: {  	[sflag:s9] =	ssyncset.done $0x0  }
0x7b: {  	s14 =	simm.s32 $0x0;
	[sflag:s9] =	ssyncadd.s32 $0xFFFFFE00  }
0x7c: {  	v0 =	vld [tilespmem:s14+$0x0];
	_ =	sdelay $0x7  }
0x7d: {  	s16 =	simm.s32 $0x80;
	s15 =	simm.s32 $0x10;
	v0 =	vld.idx.msk [tilespmem:v0+s10+$0x0], $0xffff  }
.LBB2_4:
0x7e: {  	p0 =	sne.s32 s16, $0x7C0;
	v1 =	vld [tilespmem:s15+$0x0];
	_ =	sdelay $0x3  }
.Ltmp1:
0x7f: {  	(pc) =	sbr.rel @p0 .LBB2_4-.Ltmp1, $2  }
0x80: {  	[tilespmem:s14+$0x1100] =	vst v0;
	s14 =	smov.u32 s15;
	_ =	sdelay $0x2  }
0x81: {  	s15 =	sshra.s32 s16, $0x2;
	s16 =	sadd.s32 $0x40, s16;
	v0 =	vld.idx.msk [tilespmem:v1+s10+$0x0], $0xffff  }
0x82: {  	v1 =	vld [tilespmem:s15+$0x0];
	_ =	sdelay $0x6  }
0x83: {  	[tilespmem:s14+$0x1100] =	vst v0  }
0x84: {  	v0 =	vld.idx.msk [tilespmem:v1+s10+$0x0], $0xffff;
	_ =	sdelay $0x2  }
0x85: {  	s13 =	sadd.s32 $0x1, s13  }
0x86: {  	p0 =	sne.s32 s13, s6  }
.Ltmp2:
0x87: {  	[tilespmem:s15+$0x1100] =	vst v0;
	(pc) =	sbr.rel @p0 .LBB2_1-.Ltmp2, $4  }
0x88: {  	[hbm4b:s5+s2] =	stream.linear.scatter [tilespmem:s11], [sflag:$0x3], $0x200, $0x38;
	[tilespmem:$0x1300] =	vst v63  }
0x89: {  	_ =	swait.ge [sflag:s12], $0x200  }
0x8a: {  	[sflag:s12] =	ssyncset.done $0x0  }
0x8b: {  	[sflag:s12] =	ssyncadd.s32 $0xFFFFFE00  }
0x8c: {  	_ =	sfence.sel $0x180000  }
0x8d: {  	[bflag:$0x0] =	sbarrier.arrive $0xFFFF  }
0x8e: {  	p0 =	sne.s32 s1, $0x0;
	_ =	strace $0x90000047  }
0x8f: {  	s0 =	sadd.s32 @!p0 $0x100000, s0;
	[bflag:$0x2] =	sbarrier.arrive $0xFFFF  }
0x90: {  	[sflag:s0] =	ssyncadd.tile.s32 @!p0 $0x1;
	_ =	shalt  }
.Lfunc_end2:
_tile_overlayer_lowered:
.L_overlay_start_2:
0x91: {  	(tag) =	ssettag $0x2  }
0x92: {  	s0 =	rddreg [dreg:$0x0];
	s2 =	stileid.u32  }
0x93: {  	s1 =	rddreg [dreg:$0x1];
	p0 =	sne.s32 s2, $0x0  }
0x94: {  	s3 =	rddreg [dreg:$0x2];
	[bflag:$0x3] =	sbarrier.arrive $0xFFFF;
	s2 =	simm.s32 @!p0 $0x1C03  }
0x95: {  	[timem:s3], [sflag:s2] =	dma.local @!p0 [hbm:s0], s1  }
0x96: {  	s0 =	simm.s32 @!p0 $0x3  }
0x97: {  	_ =	swait.ge @!p0 [sflag:s0], s1  }
0x98: {  	s1 =	ssub.s32 @!p0 $0x0, s1;
	[sflag:s0] =	ssyncset.done @!p0 $0x0  }
0x99: {  	[sflag:s0] =	ssyncadd.s32 @!p0 s1  }
0x9a: {  	[bflag:$0x3] =	sbarrier.arrive $0xFFFF  }
0x9b: {  	_ =	shalt  }

</sc_bundles>
